<compile_context>
chip_gen: v7x
topology: tpu7x:2x2x1
jax: 0.10.2.dev20260603
libtpu: 0.0.44.dev20260713+nightly
codegen_flags: <defaults>
</compile_context>

<pallas_src>
import functools

import jax
import jax.numpy as jnp
from jax import lax
from jax.experimental import pallas as pl
from jax.experimental.pallas import tpu as pltpu
from jax.experimental.pallas import tpu_sc as plsc

BATCH = 16384
F = 26
VOCAB = 1000000
VOCAB_PAD = 1000448
NC = 2
NS = 16
L = 16
NW = NC * NS
BW = BATCH // NW
NG = F * BW


def _lr_body(idx_hbm, table_hbm, out_hbm, idx_v, vals_v, out_v, sem):
    wid = lax.axis_index("s") * NC + lax.axis_index("c")
    base = wid * NG
    pltpu.sync_copy(idx_hbm.at[pl.ds(base, NG)], idx_v)
    pltpu.async_copy(table_hbm.at[idx_v], vals_v, sem).wait()

    def chunk(c, carry):
        off = c * L
        acc = vals_v[pl.ds(off, L)]
        for f in range(1, F):
            acc = acc + vals_v[pl.ds(f * BW + off, L)]
        x = acc * (1.0 / F)
        out_v[pl.ds(off, L)] = 1.0 / (1.0 + jnp.exp(-x))
        return carry

    lax.fori_loop(0, BW // L, chunk, 0)
    pltpu.sync_copy(out_v, out_hbm.at[pl.ds(wid * BW, BW)])


_lr_call = functools.partial(
    pl.kernel,
    mesh=plsc.VectorSubcoreMesh(core_axis_name="c", subcore_axis_name="s"),
    out_type=jax.ShapeDtypeStruct((BATCH,), jnp.float32),
    scratch_types=[
        pltpu.VMEM((NG,), jnp.int32),
        pltpu.VMEM((NG,), jnp.float32),
        pltpu.VMEM((BW,), jnp.float32),
        pltpu.SemaphoreType.DMA,
    ],
    compiler_params=pltpu.CompilerParams(needs_layout_passes=False),
)(_lr_body)


@jax.jit
def kernel(inputs, table):
    idx = inputs.astype(jnp.int32).reshape(NW, BW, F).transpose(0, 2, 1).reshape(-1)
    tflat = jnp.pad(table, ((0, VOCAB_PAD - VOCAB), (0, 0))).reshape(-1)
    out = _lr_call(idx, tflat)
    return out.reshape(BATCH, 1)

# --- scband reference (transcript-rebuilt; emitter-appended) ---
"""Pipeline reference for scband-lr-25065429139598 (READ-ONLY COPY).

The authoritative reference and input builder live on the scoring server;
editing this copy changes nothing except your own understanding.
"""

import jax, jax.numpy as jnp
import numpy as np

VOCAB = 1000000
NUM_FIELDS = 26
BATCH = 16384


def setup_inputs(seed: int = 0) -> dict:
    key = jax.random.key(seed)
    k1, k2 = jax.random.split(key)
    inputs = jax.random.randint(k1, (BATCH, NUM_FIELDS), 0, VOCAB, dtype=jnp.int64 if jax.config.jax_enable_x64 else jnp.int32)
    # Embedding table: [sum(feat_sizes), 1], Keras default uniform(-0.05, 0.05)
    table = jax.random.uniform(k2, (VOCAB, 1), dtype=jnp.float32, minval=-0.05, maxval=0.05)
    return {"inputs": inputs, "table": table}


def reference(inputs, table):
    # Embedding lookup: [B, F] -> [B, F, 1]
    embeded = jnp.take(table, inputs, axis=0)
    # reduce_mean over field axis, then sigmoid -> [B, 1]
    output = jax.nn.sigmoid(jnp.mean(embeded, axis=1))
    return output

if __name__ == "__main__":
    import jax
    _d = setup_inputs()
    print(jax.jit(kernel)(*tuple(_d.values())))

</pallas_src>

<mosaic_0001>
#map = affine_map<(d0, d1) -> (0)>
module attributes {stable_mosaic.version = 14 : i64} {
  func.func @_lr_body(%arg0: i32, %arg1: i32, %arg2: memref<425984xi32, #tpu.memory_space<hbm>>, %arg3: memref<1000448xf32, #tpu.memory_space<hbm>>, %arg4: memref<16384xf32, #tpu.memory_space<hbm>>, %arg5: memref<13312xi32, #tpu.memory_space<vmem>>, %arg6: memref<13312xf32, #tpu.memory_space<vmem>>, %arg7: memref<512xf32, #tpu.memory_space<vmem>>, %arg8: memref<!tpu.dma_semaphore, #tpu.memory_space<semaphore_mem>>) attributes {dimension_semantics = [#tpu.dimension_semantics<core_parallel>, #tpu.dimension_semantics<subcore_parallel>], iteration_bounds = array<i64: 2, 16>, scalar_prefetch = 0 : i64, scratch_operands = 4 : i64, tpu.core_type = #tpu.core_type<sc_vector_subcore>, window_params = [{transform_indices = #map}, {transform_indices = #map}, {transform_indices = #map}]} {
    %mul3A = arith.constant 2 : i32
    %mul3A_0 = arith.muli %arg1, %mul3A : i32
    %add3A = arith.addi %mul3A_0, %arg0 : i32
    %mul3A_1 = arith.constant 13312 : i32
    %mul3A_2 = arith.muli %add3A, %mul3A_1 : i32
    "tpu.region"() ({
      %run_scoped3A = tpu.sem_alloc : memref<!tpu.dma_semaphore, #tpu.memory_space<semaphore_mem>>
      %dma_start3A_12 = tpu.memref_slice %arg2[%mul3A_2] : memref<425984xi32, #tpu.memory_space<hbm>> -> memref<13312xi32, #tpu.memory_space<hbm>>
      %dma_start3A_13 = tpu.memref_slice %arg2[%mul3A_2] : memref<425984xi32, #tpu.memory_space<hbm>> -> memref<13312xi32, #tpu.memory_space<hbm>>
      tpu.enqueue_dma source(%dma_start3A_13 : memref<13312xi32, #tpu.memory_space<hbm>>) target(%arg5 : memref<13312xi32, #tpu.memory_space<vmem>>) target_semaphore(%run_scoped3A : memref<!tpu.dma_semaphore, #tpu.memory_space<semaphore_mem>>)
      %dma_wait3A_14 = tpu.memref_slice %arg2[%mul3A_2] : memref<425984xi32, #tpu.memory_space<hbm>> -> memref<13312xi32, #tpu.memory_space<hbm>>
      %dma_wait3A_15 = tpu.memref_slice %arg2[%mul3A_2] : memref<425984xi32, #tpu.memory_space<hbm>> -> memref<13312xi32, #tpu.memory_space<hbm>>
      tpu.wait_dma2 semaphore(%run_scoped3A : memref<!tpu.dma_semaphore, #tpu.memory_space<semaphore_mem>>) src(%dma_wait3A_15 : memref<13312xi32, #tpu.memory_space<hbm>>) dst(%arg5 : memref<13312xi32, #tpu.memory_space<vmem>>)
      tpu.yield
    }) : () -> ()
    %dma_start3A = arith.constant 0 : i32
    %dma_start3A_3 = tpu.memref_slice %arg3[%dma_start3A] : memref<1000448xf32, #tpu.memory_space<hbm>> -> memref<1000448xf32, #tpu.memory_space<hbm>>
    tpu.enqueue_indirect_dma source(%dma_start3A_3 : memref<1000448xf32, #tpu.memory_space<hbm>>) target(%arg6 : memref<13312xf32, #tpu.memory_space<vmem>>) offsets(%arg5 : memref<13312xi32, #tpu.memory_space<vmem>>) semaphore(%arg8 : memref<!tpu.dma_semaphore, #tpu.memory_space<semaphore_mem>>)
    %dma_wait3A = arith.constant 0 : i32
    %dma_wait3A_4 = tpu.memref_slice %arg3[%dma_wait3A] : memref<1000448xf32, #tpu.memory_space<hbm>> -> memref<1000448xf32, #tpu.memory_space<hbm>>
    tpu.wait_indirect_dma semaphore(%arg8 : memref<!tpu.dma_semaphore, #tpu.memory_space<semaphore_mem>>) src(%dma_wait3A_4 : memref<1000448xf32, #tpu.memory_space<hbm>>) dst(%arg6 : memref<13312xf32, #tpu.memory_space<vmem>>)
    %scan3A = arith.constant 0 : i32
    %scan3A_5 = arith.constant 0 : i32
    %scan3A_6 = arith.constant 32 : i32
    %scan3A_7 = arith.addi %scan3A_5, %scan3A_6 : i32
    %scan3A_8 = arith.constant 1 : i32
    scf.for %scan3A_12 = %scan3A_5 to %scan3A_7 step %scan3A_8  : i32 {
      %mul3A_13 = arith.constant 16 : i32
      %mul3A_14 = arith.muli %scan3A_12, %mul3A_13 : i32
      %get3A = arith.index_cast %mul3A_14 : i32 to index
      %get3A_15 = tpu.vector_load %arg6[%get3A] {strides = array<i32>} : memref<13312xf32, #tpu.memory_space<vmem>>, vector<16xf32>,
      %add3A_16 = arith.constant 512 : i32
      %add3A_17 = arith.addi %add3A_16, %mul3A_14 : i32
      %get3A_18 = arith.index_cast %add3A_17 : i32 to index
      %get3A_19 = tpu.vector_load %arg6[%get3A_18] {strides = array<i32>} : memref<13312xf32, #tpu.memory_space<vmem>>, vector<16xf32>,
      %add3A_20 = arith.addf %get3A_15, %get3A_19 : vector<16xf32>
      %add3A_21 = arith.constant 1024 : i32
      %add3A_22 = arith.addi %add3A_21, %mul3A_14 : i32
      %get3A_23 = arith.index_cast %add3A_22 : i32 to index
      %get3A_24 = tpu.vector_load %arg6[%get3A_23] {strides = array<i32>} : memref<13312xf32, #tpu.memory_space<vmem>>, vector<16xf32>,
      %add3A_25 = arith.addf %add3A_20, %get3A_24 : vector<16xf32>
      %add3A_26 = arith.constant 1536 : i32
      %add3A_27 = arith.addi %add3A_26, %mul3A_14 : i32
      %get3A_28 = arith.index_cast %add3A_27 : i32 to index
      %get3A_29 = tpu.vector_load %arg6[%get3A_28] {strides = array<i32>} : memref<13312xf32, #tpu.memory_space<vmem>>, vector<16xf32>,
      %add3A_30 = arith.addf %add3A_25, %get3A_29 : vector<16xf32>
      %add3A_31 = arith.constant 2048 : i32
      %add3A_32 = arith.addi %add3A_31, %mul3A_14 : i32
      %get3A_33 = arith.index_cast %add3A_32 : i32 to index
      %get3A_34 = tpu.vector_load %arg6[%get3A_33] {strides = array<i32>} : memref<13312xf32, #tpu.memory_space<vmem>>, vector<16xf32>,
      %add3A_35 = arith.addf %add3A_30, %get3A_34 : vector<16xf32>
      %add3A_36 = arith.constant 2560 : i32
      %add3A_37 = arith.addi %add3A_36, %mul3A_14 : i32
      %get3A_38 = arith.index_cast %add3A_37 : i32 to index
      %get3A_39 = tpu.vector_load %arg6[%get3A_38] {strides = array<i32>} : memref<13312xf32, #tpu.memory_space<vmem>>, vector<16xf32>,
      %add3A_40 = arith.addf %add3A_35, %get3A_39 : vector<16xf32>
      %add3A_41 = arith.constant 3072 : i32
      %add3A_42 = arith.addi %add3A_41, %mul3A_14 : i32
      %get3A_43 = arith.index_cast %add3A_42 : i32 to index
      %get3A_44 = tpu.vector_load %arg6[%get3A_43] {strides = array<i32>} : memref<13312xf32, #tpu.memory_space<vmem>>, vector<16xf32>,
      %add3A_45 = arith.addf %add3A_40, %get3A_44 : vector<16xf32>
      %add3A_46 = arith.constant 3584 : i32
      %add3A_47 = arith.addi %add3A_46, %mul3A_14 : i32
      %get3A_48 = arith.index_cast %add3A_47 : i32 to index
      %get3A_49 = tpu.vector_load %arg6[%get3A_48] {strides = array<i32>} : memref<13312xf32, #tpu.memory_space<vmem>>, vector<16xf32>,
      %add3A_50 = arith.addf %add3A_45, %get3A_49 : vector<16xf32>
      %add3A_51 = arith.constant 4096 : i32
      %add3A_52 = arith.addi %add3A_51, %mul3A_14 : i32
      %get3A_53 = arith.index_cast %add3A_52 : i32 to index
      %get3A_54 = tpu.vector_load %arg6[%get3A_53] {strides = array<i32>} : memref<13312xf32, #tpu.memory_space<vmem>>, vector<16xf32>,
      %add3A_55 = arith.addf %add3A_50, %get3A_54 : vector<16xf32>
      %add3A_56 = arith.constant 4608 : i32
      %add3A_57 = arith.addi %add3A_56, %mul3A_14 : i32
      %get3A_58 = arith.index_cast %add3A_57 : i32 to index
      %get3A_59 = tpu.vector_load %arg6[%get3A_58] {strides = array<i32>} : memref<13312xf32, #tpu.memory_space<vmem>>, vector<16xf32>,
      %add3A_60 = arith.addf %add3A_55, %get3A_59 : vector<16xf32>
      %add3A_61 = arith.constant 5120 : i32
      %add3A_62 = arith.addi %add3A_61, %mul3A_14 : i32
      %get3A_63 = arith.index_cast %add3A_62 : i32 to index
      %get3A_64 = tpu.vector_load %arg6[%get3A_63] {strides = array<i32>} : memref<13312xf32, #tpu.memory_space<vmem>>, vector<16xf32>,
      %add3A_65 = arith.addf %add3A_60, %get3A_64 : vector<16xf32>
      %add3A_66 = arith.constant 5632 : i32
      %add3A_67 = arith.addi %add3A_66, %mul3A_14 : i32
      %get3A_68 = arith.index_cast %add3A_67 : i32 to index
      %get3A_69 = tpu.vector_load %arg6[%get3A_68] {strides = array<i32>} : memref<13312xf32, #tpu.memory_space<vmem>>, vector<16xf32>,
      %add3A_70 = arith.addf %add3A_65, %get3A_69 : vector<16xf32>
      %add3A_71 = arith.constant 6144 : i32
      %add3A_72 = arith.addi %add3A_71, %mul3A_14 : i32
      %get3A_73 = arith.index_cast %add3A_72 : i32 to index
      %get3A_74 = tpu.vector_load %arg6[%get3A_73] {strides = array<i32>} : memref<13312xf32, #tpu.memory_space<vmem>>, vector<16xf32>,
      %add3A_75 = arith.addf %add3A_70, %get3A_74 : vector<16xf32>
      %add3A_76 = arith.constant 6656 : i32
      %add3A_77 = arith.addi %add3A_76, %mul3A_14 : i32
      %get3A_78 = arith.index_cast %add3A_77 : i32 to index
      %get3A_79 = tpu.vector_load %arg6[%get3A_78] {strides = array<i32>} : memref<13312xf32, #tpu.memory_space<vmem>>, vector<16xf32>,
      %add3A_80 = arith.addf %add3A_75, %get3A_79 : vector<16xf32>
      %add3A_81 = arith.constant 7168 : i32
      %add3A_82 = arith.addi %add3A_81, %mul3A_14 : i32
      %get3A_83 = arith.index_cast %add3A_82 : i32 to index
      %get3A_84 = tpu.vector_load %arg6[%get3A_83] {strides = array<i32>} : memref<13312xf32, #tpu.memory_space<vmem>>, vector<16xf32>,
      %add3A_85 = arith.addf %add3A_80, %get3A_84 : vector<16xf32>
      %add3A_86 = arith.constant 7680 : i32
      %add3A_87 = arith.addi %add3A_86, %mul3A_14 : i32
      %get3A_88 = arith.index_cast %add3A_87 : i32 to index
      %get3A_89 = tpu.vector_load %arg6[%get3A_88] {strides = array<i32>} : memref<13312xf32, #tpu.memory_space<vmem>>, vector<16xf32>,
      %add3A_90 = arith.addf %add3A_85, %get3A_89 : vector<16xf32>
      %add3A_91 = arith.constant 8192 : i32
      %add3A_92 = arith.addi %add3A_91, %mul3A_14 : i32
      %get3A_93 = arith.index_cast %add3A_92 : i32 to index
      %get3A_94 = tpu.vector_load %arg6[%get3A_93] {strides = array<i32>} : memref<13312xf32, #tpu.memory_space<vmem>>, vector<16xf32>,
      %add3A_95 = arith.addf %add3A_90, %get3A_94 : vector<16xf32>
      %add3A_96 = arith.constant 8704 : i32
      %add3A_97 = arith.addi %add3A_96, %mul3A_14 : i32
      %get3A_98 = arith.index_cast %add3A_97 : i32 to index
      %get3A_99 = tpu.vector_load %arg6[%get3A_98] {strides = array<i32>} : memref<13312xf32, #tpu.memory_space<vmem>>, vector<16xf32>,
      %add3A_100 = arith.addf %add3A_95, %get3A_99 : vector<16xf32>
      %add3A_101 = arith.constant 9216 : i32
      %add3A_102 = arith.addi %add3A_101, %mul3A_14 : i32
      %get3A_103 = arith.index_cast %add3A_102 : i32 to index
      %get3A_104 = tpu.vector_load %arg6[%get3A_103] {strides = array<i32>} : memref<13312xf32, #tpu.memory_space<vmem>>, vector<16xf32>,
      %add3A_105 = arith.addf %add3A_100, %get3A_104 : vector<16xf32>
      %add3A_106 = arith.constant 9728 : i32
      %add3A_107 = arith.addi %add3A_106, %mul3A_14 : i32
      %get3A_108 = arith.index_cast %add3A_107 : i32 to index
      %get3A_109 = tpu.vector_load %arg6[%get3A_108] {strides = array<i32>} : memref<13312xf32, #tpu.memory_space<vmem>>, vector<16xf32>,
      %add3A_110 = arith.addf %add3A_105, %get3A_109 : vector<16xf32>
      %add3A_111 = arith.constant 10240 : i32
      %add3A_112 = arith.addi %add3A_111, %mul3A_14 : i32
      %get3A_113 = arith.index_cast %add3A_112 : i32 to index
      %get3A_114 = tpu.vector_load %arg6[%get3A_113] {strides = array<i32>} : memref<13312xf32, #tpu.memory_space<vmem>>, vector<16xf32>,
      %add3A_115 = arith.addf %add3A_110, %get3A_114 : vector<16xf32>
      %add3A_116 = arith.constant 10752 : i32
      %add3A_117 = arith.addi %add3A_116, %mul3A_14 : i32
      %get3A_118 = arith.index_cast %add3A_117 : i32 to index
      %get3A_119 = tpu.vector_load %arg6[%get3A_118] {strides = array<i32>} : memref<13312xf32, #tpu.memory_space<vmem>>, vector<16xf32>,
      %add3A_120 = arith.addf %add3A_115, %get3A_119 : vector<16xf32>
      %add3A_121 = arith.constant 11264 : i32
      %add3A_122 = arith.addi %add3A_121, %mul3A_14 : i32
      %get3A_123 = arith.index_cast %add3A_122 : i32 to index
      %get3A_124 = tpu.vector_load %arg6[%get3A_123] {strides = array<i32>} : memref<13312xf32, #tpu.memory_space<vmem>>, vector<16xf32>,
      %add3A_125 = arith.addf %add3A_120, %get3A_124 : vector<16xf32>
      %add3A_126 = arith.constant 11776 : i32
      %add3A_127 = arith.addi %add3A_126, %mul3A_14 : i32
      %get3A_128 = arith.index_cast %add3A_127 : i32 to index
      %get3A_129 = tpu.vector_load %arg6[%get3A_128] {strides = array<i32>} : memref<13312xf32, #tpu.memory_space<vmem>>, vector<16xf32>,
      %add3A_130 = arith.addf %add3A_125, %get3A_129 : vector<16xf32>
      %add3A_131 = arith.constant 12288 : i32
      %add3A_132 = arith.addi %add3A_131, %mul3A_14 : i32
      %get3A_133 = arith.index_cast %add3A_132 : i32 to index
      %get3A_134 = tpu.vector_load %arg6[%get3A_133] {strides = array<i32>} : memref<13312xf32, #tpu.memory_space<vmem>>, vector<16xf32>,
      %add3A_135 = arith.addf %add3A_130, %get3A_134 : vector<16xf32>
      %add3A_136 = arith.constant 12800 : i32
      %add3A_137 = arith.addi %add3A_136, %mul3A_14 : i32
      %get3A_138 = arith.index_cast %add3A_137 : i32 to index
      %get3A_139 = tpu.vector_load %arg6[%get3A_138] {strides = array<i32>} : memref<13312xf32, #tpu.memory_space<vmem>>, vector<16xf32>,
      %add3A_140 = arith.addf %add3A_135, %get3A_139 : vector<16xf32>
      %mul3A_141 = arith.constant 0.0384615399 : f32
      %mul3A_142 = vector.broadcast %mul3A_141 : f32 to vector<16xf32>
      %mul3A_143 = arith.mulf %add3A_140, %mul3A_142 : vector<16xf32>
      %neg3A = arith.constant 0.000000e+00 : f32
      %neg3A_144 = vector.broadcast %neg3A : f32 to vector<16xf32>
      %neg3A_145 = arith.subf %neg3A_144, %mul3A_143 : vector<16xf32>
      %exp3A = math.exp %neg3A_145 : vector<16xf32>
      %add3A_146 = arith.constant 1.000000e+00 : f32
      %add3A_147 = vector.broadcast %add3A_146 : f32 to vector<16xf32>
      %add3A_148 = arith.addf %add3A_147, %exp3A : vector<16xf32>
      %div3A = arith.constant 1.000000e+00 : f32
      %div3A_149 = vector.broadcast %div3A : f32 to vector<16xf32>
      %div3A_150 = arith.divf %div3A_149, %add3A_148 : vector<16xf32>
      %swap3A = arith.index_cast %mul3A_14 : i32 to index
      %swap3A_151 = tpu.vector_load %arg7[%swap3A] {strides = array<i32>} : memref<512xf32, #tpu.memory_space<vmem>>, vector<16xf32>,
      tpu.vector_store %arg7[%swap3A], %div3A_150 {strides = array<i32>} : memref<512xf32, #tpu.memory_space<vmem>>, vector<16xf32>,
    }
    %scan3A_9 = arith.constant 32 : i32
    %mul3A_10 = arith.constant 512 : i32
    %mul3A_11 = arith.muli %add3A, %mul3A_10 : i32
    "tpu.region"() ({
      %run_scoped3A = tpu.sem_alloc : memref<!tpu.dma_semaphore, #tpu.memory_space<semaphore_mem>>
      %dma_start3A_12 = tpu.memref_slice %arg4[%mul3A_11] : memref<16384xf32, #tpu.memory_space<hbm>> -> memref<512xf32, #tpu.memory_space<hbm>>
      %dma_start3A_13 = tpu.memref_slice %arg4[%mul3A_11] : memref<16384xf32, #tpu.memory_space<hbm>> -> memref<512xf32, #tpu.memory_space<hbm>>
      tpu.enqueue_dma source(%arg7 : memref<512xf32, #tpu.memory_space<vmem>>) target(%dma_start3A_13 : memref<512xf32, #tpu.memory_space<hbm>>) target_semaphore(%run_scoped3A : memref<!tpu.dma_semaphore, #tpu.memory_space<semaphore_mem>>)
      %dma_wait3A_14 = tpu.memref_slice %arg4[%mul3A_11] : memref<16384xf32, #tpu.memory_space<hbm>> -> memref<512xf32, #tpu.memory_space<hbm>>
      %dma_wait3A_15 = tpu.memref_slice %arg4[%mul3A_11] : memref<16384xf32, #tpu.memory_space<hbm>> -> memref<512xf32, #tpu.memory_space<hbm>>
      tpu.wait_dma2 semaphore(%run_scoped3A : memref<!tpu.dma_semaphore, #tpu.memory_space<semaphore_mem>>) src(%arg7 : memref<512xf32, #tpu.memory_space<vmem>>) dst(%dma_wait3A_15 : memref<512xf32, #tpu.memory_space<hbm>>)
      tpu.yield
    }) : () -> ()
    return
  }
}

</mosaic_0001>

<sc_bundles>
// kernel: kernel.3.cloned.1.call-start
scs
__scs_entry_jumppad:
0x0: {  	(pc) =	sbr.rel $0x88, $3  }
0x1: {  	(tag) =	ssettag $0x0;
	lr =	simm.s32 $0x1  }
0x2: {  	[smem:$0x3F9F] =	sst lr;
	_ =	strace $0xD0000000  }
0x3: {  	_ = 	snop  }
0x4: {  	_ = 	snop  }
0x5: {  	_ = 	snop  }
0x6: {  	_ = 	snop  }
0x7: {  	_ = 	snop  }
__scs_overlays_trampoline_lowered:
0x8: {  	[smem:$0x3FAE] =	sst s0  }
0x9: {  	[smem:$0x3FAF] =	sst s1  }
0xa: {  	[smem:$0x3FB0] =	sst s2  }
0xb: {  	[smem:$0x3FB1] =	sst s3  }
0xc: {  	[smem:$0x3FB2] =	sst s4  }
0xd: {  	[smem:$0x3FB3] =	sst s5  }
0xe: {  	[smem:$0x3FB4] =	sst s6  }
0xf: {  	[smem:$0x3FB5] =	sst s7  }
0x10: {  	[smem:$0x3FB6] =	sst s8  }
0x11: {  	[smem:$0x3FB7] =	sst s9;
	s0 =	simm.s32 @!p0 $0x0  }
0x12: {  	s1 =	sld [smem:$0x3F9D];
	s0 =	simm.s32 @p0 $0x1  }
0x13: {  	[smem:$0x3FB8] =	sst s0;
	s0 =	simm.s32 @!p1 $0x0  }
0x14: {  	s2 =	sld [smem:$0x3F9C];
	s0 =	simm.s32 @p1 $0x1  }
0x15: {  	[smem:$0x3FB9] =	sst s0;
	s0 =	simm.s32 @!p2 $0x0  }
0x16: {  	s3 =	sld [smem:$0x3FDB];
	s0 =	simm.s32 @p2 $0x1  }
0x17: {  	s4 =	simm.s32 $0x1BF5;
	[smem:$0x3FBB] =	sst s0  }
0x18: {  	s0 =	sld [smem:$0x3F9E];
	_ =	swait.ge [sflag:s4], $0x0  }
0x19: {  	s7 =	sld [smem:$0x3F9F]  }
0x1a: {  	s8 =	sadd.s32 $0xFFFFE003, lr  }
0x1b: {  	s9 =	sadd.s32 $0xFFFFFEF7, lr;
	s5 =	simm.s32 $0xFFFFFFFF;
	p2 =	slt.u32 s8, $0xFFFFF086  }
0x1c: {  	p1 =	slt.u32 s9, $0xF7A;
	s5 =	simm.s32 @!p2 $0x0  }
0x1d: {  	s5 =	simm.s32 @p1 $0x1;
	p0 =	seq.s32 s7, s2  }
0x1e: {  	s7 =	smul.u32 @!p0 $0xF7A, s2;
	p2 =	seq.s32 @!p0 s5, $0x0  }
0x1f: {  	s9 =	smul.u32 $0xF7A, s1;
	s8 =	simm.s32 @!p0 $0x1BF5;
	p2 =	por !p2, p0  }
0x20: {  	[sflag:s8] =	ssyncset.s32 @!p0 $0xFFFFF086;
	s6 =	sadd.s32 @!p0 s3, s7;
	s7 =	simm.s32 @!p0 $0x108  }
0x21: {  	s3 =	sadd.s32 s3, s9;
	s6 =	sadd.s32 @!p0 $0x88, s6;
	s7 =	simm.s32 @p2 $0x1082  }
0x22: {  	[simem:s7], [sflag:s8] =	dma.local @!p0 [hbm:s6], $0xF7A  }
0x23: {  	s9 =	sor.u32 $0xD0000000, s2;
	s6 =	simm.s32 $0x108;
	_ =	swait.ge @!p0 [sflag:s8], $0x0  }
0x24: {  	s3 =	sadd.s32 $0x88, s3;
	s6 =	simm.s32 @!p1 $0x1082;
	[sflag:s4] =	ssyncset.s32 $0xFFFFF086  }
0x25: {  	[simem:s6], [sflag:s4] =	dma.local [hbm:s3], $0xF7A  }
0x26: {  	[smem:$0x3F9F] =	sst s1;
	(tag) =	ssettag s2;
	_ =	strace s9  }
0x27: {  	s1 =	sld [smem:$0x3FAF]  }
0x28: {  	s2 =	sld [smem:$0x3FB0]  }
0x29: {  	s4 =	sld [smem:$0x3FB2]  }
0x2a: {  	p0 =	seq.s32 s5, $0x0;
	s5 =	sld [smem:$0x3FB3]  }
0x2b: {  	s6 =	sld [smem:$0x3FB4]  }
0x2c: {  	s7 =	sld [smem:$0x3FB5]  }
0x2d: {  	s3 =	simm.s32 $0x108;
	s8 =	sld [smem:$0x3FB6]  }
0x2e: {  	s3 =	simm.s32 @!p0 $0x1082;
	s9 =	sld [smem:$0x3FB7]  }
0x2f: {  	lr =	sadd.s32 s0, s3;
	s0 =	sld [smem:$0x3FAE]  }
0x30: {  	s3 =	sld [smem:$0x3FB1]  }
0x31: {  	[smem:$0x3FBA] =	sst s10  }
0x32: {  	s10 =	sld [smem:$0x3FB8];
	_ =	sdelay $0x3  }
0x33: {  	p0 =	seq.s32 s10, $0x1;
	s10 =	sld [smem:$0x3FBA];
	_ =	sdelay $0x3  }
0x34: {  	[smem:$0x3FBA] =	sst s10  }
0x35: {  	s10 =	sld [smem:$0x3FB9];
	_ =	sdelay $0x3  }
0x36: {  	p1 =	seq.s32 s10, $0x1;
	s10 =	sld [smem:$0x3FBA];
	_ =	sdelay $0x3  }
0x37: {  	[smem:$0x3FBA] =	sst s10  }
0x38: {  	s10 =	sld [smem:$0x3FBB]  }
0x39: {  	_ = 	snop;
	(pc) =	sbr.ind lr, $3  }
0x3a: {  	_ = 	snop  }
0x3b: {  	_ = 	snop  }
0x3c: {  	p2 =	seq.s32 s10, $0x1;
	s10 =	sld [smem:$0x3FBA]  }
0x3d: {  	_ =	shalt  }
0x3e: {  	_ =	shalt  }
0x3f: {  	_ =	shalt  }
0x40: {  	_ =	shalt  }
0x41: {  	_ =	shalt  }
0x42: {  	_ =	shalt  }
0x43: {  	_ =	shalt  }
0x44: {  	_ =	shalt  }
0x45: {  	_ =	shalt  }
0x46: {  	_ =	shalt  }
0x47: {  	_ =	shalt  }
0x48: {  	_ =	shalt  }
0x49: {  	_ =	shalt  }
0x4a: {  	_ =	shalt  }
0x4b: {  	_ =	shalt  }
0x4c: {  	_ =	shalt  }
0x4d: {  	_ =	shalt  }
0x4e: {  	_ =	shalt  }
0x4f: {  	_ =	shalt  }
0x50: {  	_ =	shalt  }
0x51: {  	_ =	shalt  }
0x52: {  	_ =	shalt  }
0x53: {  	_ =	shalt  }
0x54: {  	_ =	shalt  }
0x55: {  	_ =	shalt  }
0x56: {  	_ =	shalt  }
0x57: {  	_ =	shalt  }
0x58: {  	_ =	shalt  }
0x59: {  	_ =	shalt  }
0x5a: {  	_ =	shalt  }
0x5b: {  	_ =	shalt  }
0x5c: {  	_ =	shalt  }
0x5d: {  	_ =	shalt  }
0x5e: {  	_ =	shalt  }
0x5f: {  	_ =	shalt  }
0x60: {  	_ =	shalt  }
0x61: {  	_ =	shalt  }
0x62: {  	_ =	shalt  }
0x63: {  	_ =	shalt  }
0x64: {  	_ =	shalt  }
0x65: {  	_ =	shalt  }
0x66: {  	_ =	shalt  }
0x67: {  	_ =	shalt  }
0x68: {  	_ =	shalt  }
0x69: {  	_ =	shalt  }
0x6a: {  	_ =	shalt  }
0x6b: {  	_ =	shalt  }
0x6c: {  	_ =	shalt  }
0x6d: {  	_ =	shalt  }
0x6e: {  	_ =	shalt  }
0x6f: {  	_ =	shalt  }
0x70: {  	_ =	shalt  }
0x71: {  	_ =	shalt  }
0x72: {  	_ =	shalt  }
0x73: {  	_ =	shalt  }
0x74: {  	_ =	shalt  }
0x75: {  	_ =	shalt  }
0x76: {  	_ =	shalt  }
0x77: {  	_ =	shalt  }
0x78: {  	_ =	shalt  }
0x79: {  	_ =	shalt  }
0x7a: {  	_ =	shalt  }
0x7b: {  	_ =	shalt  }
0x7c: {  	_ =	shalt  }
0x7d: {  	_ =	shalt  }
0x7e: {  	_ =	shalt  }
0x7f: {  	_ =	shalt  }
0x80: {  	_ =	shalt  }
0x81: {  	_ =	shalt  }
0x82: {  	_ =	shalt  }
0x83: {  	_ =	shalt  }
0x84: {  	_ =	shalt  }
0x85: {  	_ =	shalt  }
0x86: {  	_ =	shalt  }
0x87: {  	_ =	shalt  }
.Lfunc_end0:
.L_simem_size_0:
called_computation_lowered:
.L_overlay_start_0:
0x88: {  	s2 =	sld [smem:$0x3FD9]  }
0x89: {  	s3 =	sld [smem:$0x3FFE];
	_ =	sdelay $0x1  }
0x8a: {  	s1 =	srdreg.scid  }
0x8b: {  	s0 =	sand.u32 $0x1, s1  }
0x8c: {  	s17 =	sshll.u32 s0, $0xA;
	s2 =	sadd.s32 s3, s2  }
0x8d: {  	s2 =	sadd.s32 s2, s17  }
0x8e: {  	[smem:$0x3FC6] =	sst s2  }
0x8f: {  	_ = 	snop  }
0x90: {  	s2 =	sld [smem:$0x3FD0];
	(tm) =	ssettm $0x1  }
0x91: {  	s18 =	sld [smem:$0x3FFB];
	_ =	sdelay $0x3  }
0x92: {  	_ =	strace s18  }
0x93: {  	s3 =	sld [smem:$0x3FFC];
	_ =	sdelay $0x3  }
0x94: {  	_ =	strace s3  }
0x95: {  	s3 =	sld [smem:$0x3FFD];
	_ =	sdelay $0x3  }
0x96: {  	_ =	strace s3  }
0x97: {  	_ =	strace $0x8FFFFFFF  }
0x98: {  	s19 =	sld [smem:$0x3FDB];
	_ =	sdelay $0x1  }
0x99: {  	s4 =	simm.s32 $_scs_section_size  }
0x9a: {  	s5 =	simm.s32 $_size__tile_overlayer_lowered;
	s6 =	simm.s32 $_tile_overlayer_lowered  }
0x9b: {  	s22 =	simm.s32 $0x1BFF;
	s21 =	sshll.u32 s6, $0x1;
	s3 =	sadd.s32 s4, s19  }
0x9c: {  	s7 =	simm.s32 $0x0;
	s20 =	sshll.u32 s5, $0x1;
	s5 =	sadd.s32 s21, s3  }
0x9d: {  	[timem:s7], [sflag:s22] =	dma.local [hbm:s5], s20  }
0x9e: {  	_ =	swait.ge [sflag:s22], s20  }
0x9f: {  	s4 =	ssub.s32 $0x0, s20;
	[sflag:s22] =	ssyncset.done $0x0  }
0xa0: {  	[sflag:s22] =	ssyncadd.s32 s4;
	_ =	sdelay $0x1  }
0xa1: {  	s23 =	simm.s32 $0x1B8B  }
0xa2: {  	_ =	swait.ge [sflag:s23], $0x1  }
0xa3: {  	[sflag:s23] =	ssyncset.done $0x0  }
0xa4: {  	s25 =	simm.s32 $0x1B8E;
	s24 =	sld [smem:$0x3FFE];
	[sflag:s23] =	ssyncadd.s32 $0xFFFFFFFF  }
0xa5: {  	s26 =	simm.s32 $execute0_lowered;
	[smem:$0x3FD2] =	sst s25  }
0xa6: {  	s5 =	sshll.u32 s26, $0x1;
	_ =	strace $0x80000046;
	[dreg:$0x1] =	wrdreg $0xFFFFFFFF  }
0xa7: {  	s28 =	simm.s32 $_size_execute0_lowered;
	s3 =	sadd.s32 s3, s5;
	[dreg:$0x0] =	wrdreg $0x0  }
0xa8: {  	s5 =	sshll.u32 s28, $0x1;
	[dreg:$0x2] =	wrdreg s3  }
0xa9: {  	[dreg:$0x3] =	wrdreg s5  }
0xaa: {  	[dreg:$0x4] =	wrdreg $0xC0  }
0xab: {  	_ =	task [dreg:s7], $0x5FFFF  }
0xac: {  	[dreg:$0x1] =	wrdreg $0xFFFFFFFF  }
0xad: {  	[dreg:$0x0] =	wrdreg $0x60  }
0xae: {  	[dreg:$0x2] =	wrdreg s24  }
0xaf: {  	[dreg:$0x3] =	wrdreg s2  }
0xb0: {  	[dreg:$0x4] =	wrdreg $0x9  }
0xb1: {  	_ =	task.clear_ibuf [dreg:s7], $0x5FFFF;
	_ =	strace $0x90000046  }
0xb2: {  	s29 =	simm.s32 $0x9;
	_ =	strace $0x80000048  }
0xb3: {  	_ =	swait.ge [sflag:s29], $0x1  }
0xb4: {  	[sflag:s29] =	ssyncadd.s32 $0xFFFFFFFF  }
0xb5: {  	_ =	strace $0x90000048  }
0xb6: {  	_ =	sfence  }
0xb7: {  	s30 =	sld [smem:$0x0];
	_ =	sdelay $0x2  }
0xb8: {  	s31 =	sshll.u32 s1, $0xD;
	s1 =	sshrl.u32 s1, $0x2  }
0xb9: {  	s3 =	sand.u32 $0x4000, s31;
	s1 =	sadd.s32 s1, s30  }
0xba: {  	s0 =	sor.u32 s3, s0;
	s1 =	sshll.u32 s1, $0x11  }
0xbb: {  	s0 =	sor.u32 s1, s0  }
0xbc: {  	s0 =	sadd.s32 $0x8F2B, s0  }
0xbd: {  	[sflag:s0] =	ssyncadd.remote.s32 $0x1  }
0xbe: {  	_ =	sfence.sel $0xFFFF  }
0xbf: {  	[dreg:$0x0] =	wrdreg $0xFFFFFFFF;
	(pc) =	sbr.abs _section_cstart, $3  }
0xc0: {  	[dreg:$0x1] =	wrdreg $0xFFFFFFFF  }
0xc1: {  	_ =	task.clear_ibuf [dreg:s7], $0x2FFFF;
	_ =	strace $0x9FFFFFFF  }
0xc2: {  	(tm) =	ssettm $0x7FFFFFFF  }
0xc3: {  	_ =	shalt  }
tec
execute0_lowered:
.L_overlay_start_1:
0x0: {  	(tag) =	ssettag $0x1  }
0x1: {  	s3 =	rddreg [dreg:$0x0];
	s1 =	srdreg.scid  }
0x2: {  	s0 =	stileid.u32;
	s5 =	rddreg [dreg:$0x1]  }
0x3: {  	s2 =	simm.s32 $0x0;
	s9 =	simm.s32 $0x6800;
	s10 =	simm.s32 $0x0  }
0x4: {  	s4 =	sand.u32 $0x1, s1;
	s6 =	sshll.u32 s0, $0x1;
	s1 =	rddreg [dreg:$0x2]  }
0x5: {  	[smem:$0x7FF] =	sst s2;
	s6 =	sor.u32 s4, s6;
	s4 =	ssub.s32 $0x2, s4  }
0x6: {  	s7 =	smul.u32 $0x680, s6;
	s8 =	sshrl.u32 s4, $0x1;
	s6 =	sshll.u32 s6, $0x6  }
0x7: {  	_ =	strace $0x80000047;
	s8 =	ssub.s32 s4, s8;
	s5 =	sadd.s32 s5, s6  }
0x8: {  	s7 =	sadd.s32 s7, s3;
	s3 =	sadd.s32 $0xD600, s3;
	s6 =	smax.u32 s8, $0x1  }
0x9: {  	s8 =	simm.s32 $0x1;
	s4 =	sadd.s32 $0x600, s7;
	s7 =	simm.s32 $0x2  }
.LBB2_1:
0xa: {  	[tilespmem:s2], [sflag:$0x2] =	stream.linear.gather [hbm4b:s4+s2], $0x3400, $0x38;
	[tilespmem:$0x6A00] =	vst v63  }
0xb: {  	_ =	swait.ge [sflag:s7], $0x3400  }
0xc: {  	[sflag:s7] =	ssyncset.done $0x0  }
0xd: {  	s11 =	simm.s32 $0x3400;
	[sflag:s7] =	ssyncadd.s32 $0xFFFFCC00  }
0xe: {  	[tilespmem:s11], [sflag:$0x1] =	stream.indirect.gather [hbm4b:s3+s11], $0x1, s2, s11, $0xb8;
	[tilespmem:$0x6A00] =	vst v63  }
0xf: {  	_ =	swait.ge [sflag:s8], $0x3400  }
0x10: {  	[sflag:s8] =	ssyncset.done $0x0  }
0x11: {  	s12 =	sand.u32 $0x1F0, s2;
	[sflag:s8] =	ssyncadd.s32 $0xFFFFCC00  }
0x12: {  	v0 =	vld [tilespmem:s12+$0x3600]  }
0x13: {  	v1 =	vld [tilespmem:s11+$0x0];
	_ =	sdelay $0x1  }
0x14: {  	v2 =	vld [tilespmem:s12+$0x3800];
	_ =	sdelay $0x1  }
0x15: {  	v3 =	vld [tilespmem:s12+$0x3A00]  }
0x16: {  	v0 =	vadd.f32 v0, v1  }
0x17: {  	v1 =	vld [tilespmem:s12+$0x3C00]  }
0x18: {  	v0 =	vadd.f32 v2, v0  }
0x19: {  	v2 =	vld [tilespmem:s12+$0x3E00]  }
0x1a: {  	v0 =	vadd.f32 v3, v0  }
0x1b: {  	v3 =	vld [tilespmem:s12+$0x4000]  }
0x1c: {  	v0 =	vadd.f32 v1, v0  }
0x1d: {  	v1 =	vld [tilespmem:s12+$0x4200]  }
0x1e: {  	v0 =	vadd.f32 v2, v0  }
0x1f: {  	v2 =	vld [tilespmem:s12+$0x4400]  }
0x20: {  	v0 =	vadd.f32 v3, v0  }
0x21: {  	v3 =	vld [tilespmem:s12+$0x4600]  }
0x22: {  	v0 =	vadd.f32 v1, v0  }
0x23: {  	v1 =	vld [tilespmem:s12+$0x4800]  }
0x24: {  	v0 =	vadd.f32 v2, v0  }
0x25: {  	v2 =	vld [tilespmem:s12+$0x4A00]  }
0x26: {  	v0 =	vadd.f32 v3, v0  }
0x27: {  	v3 =	vld [tilespmem:s12+$0x4C00]  }
0x28: {  	v0 =	vadd.f32 v1, v0  }
0x29: {  	v1 =	vld [tilespmem:s12+$0x4E00]  }
0x2a: {  	v0 =	vadd.f32 v2, v0  }
0x2b: {  	v2 =	vld [tilespmem:s12+$0x5000]  }
0x2c: {  	v0 =	vadd.f32 v3, v0  }
0x2d: {  	v3 =	vld [tilespmem:s12+$0x5200]  }
0x2e: {  	v0 =	vadd.f32 v1, v0  }
0x2f: {  	v1 =	vld [tilespmem:s12+$0x5400]  }
0x30: {  	v0 =	vadd.f32 v2, v0  }
0x31: {  	v2 =	vld [tilespmem:s12+$0x5600]  }
0x32: {  	v0 =	vadd.f32 v3, v0  }
0x33: {  	v3 =	vld [tilespmem:s12+$0x5800]  }
0x34: {  	v0 =	vadd.f32 v1, v0  }
0x35: {  	v1 =	vld [tilespmem:s12+$0x5A00]  }
0x36: {  	v0 =	vadd.f32 v2, v0  }
0x37: {  	v2 =	vld [tilespmem:s12+$0x5C00]  }
0x38: {  	v0 =	vadd.f32 v3, v0  }
0x39: {  	v3 =	vld [tilespmem:s12+$0x5E00]  }
0x3a: {  	v0 =	vadd.f32 v1, v0  }
0x3b: {  	v1 =	vld [tilespmem:s12+$0x6000]  }
0x3c: {  	v0 =	vadd.f32 v2, v0  }
0x3d: {  	v2 =	vld [tilespmem:s12+$0x6200]  }
0x3e: {  	v0 =	vadd.f32 v3, v0  }
0x3f: {  	v3 =	vld [tilespmem:s12+$0x6400]  }
0x40: {  	v0 =	vadd.f32 v1, v0  }
0x41: {  	v1 =	vld [tilespmem:s12+$0x6600]  }
0x42: {  	v0 =	vadd.f32 v2, v0;
	_ =	sdelay $0x1  }
0x43: {  	v0 =	vadd.f32 v3, v0;
	_ =	sdelay $0x1  }
0x44: {  	v0 =	vadd.f32 v1, v0;
	_ =	sdelay $0x1  }
0x45: {  	v0 =	vmul.f32 $-3.846153990e-02, v0;
	_ =	sdelay $0x1  }
0x46: {  	v0 =	vadd.f32 $0.0e+00, v0;
	_ =	sdelay $0x1  }
0x47: {  	v0 =	vmul.f32 $1.442695020e+00, v0;
	_ =	sdelay $0x1  }
0x48: {  	(erf) = vpow2.f32 v0;
	_ =	sdelay $0x8  }
0x49: {  	v0 =	vpop (erf)  }
0x4a: {  	v0 =	vadd.f32 $1.000000000e+00, v0;
	_ =	sdelay $0x1  }
0x4b: {  	(erf) = vrcp.f32 v0;
	_ =	sdelay $0x8  }
0x4c: {  	s31 =	simm.s32 $0x10;
	v0 =	vpop (erf)  }
0x4d: {  	s12 =	sand.u32 $0x1F0, s31;
	[tilespmem:s9+$0x0] =	vst v0  }
0x4e: {  	s14 =	simm.s32 $0x20;
	s13 =	simm.s32 $0x3410;
	s11 =	simm.s32 $0x6800;
	v0 =	vld [tilespmem:s12+$0x3600]  }
.LBB2_2:
0x4f: {  	p0 =	sne.s32 s14, $0x1F0;
	v1 =	vld [tilespmem:s13+$0x0];
	_ =	sdelay $0x1  }
0x50: {  	v2 =	vld [tilespmem:s12+$0x3800];
	_ =	sdelay $0x1  }
0x51: {  	v3 =	vld [tilespmem:s12+$0x3A00]  }
0x52: {  	v0 =	vadd.f32 v0, v1  }
0x53: {  	v1 =	vld [tilespmem:s12+$0x3C00]  }
0x54: {  	v0 =	vadd.f32 v2, v0  }
0x55: {  	v2 =	vld [tilespmem:s12+$0x3E00]  }
0x56: {  	v0 =	vadd.f32 v3, v0  }
0x57: {  	v3 =	vld [tilespmem:s12+$0x4000]  }
0x58: {  	v0 =	vadd.f32 v1, v0  }
0x59: {  	v1 =	vld [tilespmem:s12+$0x4200]  }
0x5a: {  	v0 =	vadd.f32 v2, v0  }
0x5b: {  	v2 =	vld [tilespmem:s12+$0x4400]  }
0x5c: {  	v0 =	vadd.f32 v3, v0  }
0x5d: {  	v3 =	vld [tilespmem:s12+$0x4600]  }
0x5e: {  	v0 =	vadd.f32 v1, v0  }
0x5f: {  	v1 =	vld [tilespmem:s12+$0x4800]  }
0x60: {  	v0 =	vadd.f32 v2, v0  }
0x61: {  	v2 =	vld [tilespmem:s12+$0x4A00]  }
0x62: {  	v0 =	vadd.f32 v3, v0  }
0x63: {  	v3 =	vld [tilespmem:s12+$0x4C00]  }
0x64: {  	v0 =	vadd.f32 v1, v0  }
0x65: {  	v1 =	vld [tilespmem:s12+$0x4E00]  }
0x66: {  	v0 =	vadd.f32 v2, v0  }
0x67: {  	v2 =	vld [tilespmem:s12+$0x5000]  }
0x68: {  	v0 =	vadd.f32 v3, v0  }
0x69: {  	v3 =	vld [tilespmem:s12+$0x5200]  }
0x6a: {  	v0 =	vadd.f32 v1, v0  }
0x6b: {  	v1 =	vld [tilespmem:s12+$0x5400]  }
0x6c: {  	v0 =	vadd.f32 v2, v0  }
0x6d: {  	v2 =	vld [tilespmem:s12+$0x5600]  }
0x6e: {  	v0 =	vadd.f32 v3, v0  }
0x6f: {  	v3 =	vld [tilespmem:s12+$0x5800]  }
0x70: {  	v0 =	vadd.f32 v1, v0  }
0x71: {  	v1 =	vld [tilespmem:s12+$0x5A00]  }
0x72: {  	v0 =	vadd.f32 v2, v0  }
0x73: {  	v2 =	vld [tilespmem:s12+$0x5C00]  }
0x74: {  	v0 =	vadd.f32 v3, v0  }
0x75: {  	v3 =	vld [tilespmem:s12+$0x5E00]  }
0x76: {  	v0 =	vadd.f32 v1, v0  }
0x77: {  	v1 =	vld [tilespmem:s12+$0x6000]  }
0x78: {  	v0 =	vadd.f32 v2, v0  }
0x79: {  	v2 =	vld [tilespmem:s12+$0x6200]  }
0x7a: {  	v0 =	vadd.f32 v3, v0  }
0x7b: {  	v3 =	vld [tilespmem:s12+$0x6400]  }
0x7c: {  	v0 =	vadd.f32 v1, v0  }
0x7d: {  	v1 =	vld [tilespmem:s12+$0x6600]  }
0x7e: {  	v0 =	vadd.f32 v2, v0;
	_ =	sdelay $0x1  }
0x7f: {  	v0 =	vadd.f32 v3, v0;
	_ =	sdelay $0x1  }
0x80: {  	v0 =	vadd.f32 v1, v0;
	_ =	sdelay $0x1  }
0x81: {  	v0 =	vmul.f32 $-3.846153990e-02, v0;
	_ =	sdelay $0x1  }
0x82: {  	v0 =	vadd.f32 $0.0e+00, v0;
	_ =	sdelay $0x1  }
0x83: {  	v0 =	vmul.f32 $1.442695020e+00, v0;
	_ =	sdelay $0x1  }
0x84: {  	(erf) = vpow2.f32 v0;
	_ =	sdelay $0x8  }
0x85: {  	v0 =	vpop (erf)  }
0x86: {  	v0 =	vadd.f32 $1.000000000e+00, v0;
	_ =	sdelay $0x1  }
0x87: {  	(erf) = vrcp.f32 v0;
	_ =	sdelay $0x6  }
.Ltmp0:
0x88: {  	(pc) =	sbr.rel @p0 .LBB2_2-.Ltmp0, $4  }
0x89: {  	_ = 	snop  }
0x8a: {  	s11 =	sadd.s32 $0x10, s11;
	v0 =	vpop (erf)  }
0x8b: {  	s12 =	sand.u32 $0x1F0, s14;
	[tilespmem:s11+$0x0] =	vst v0  }
0x8c: {  	s13 =	sadd.s32 $0x10, s13;
	s14 =	sadd.s32 $0x10, s14;
	v0 =	vld [tilespmem:s12+$0x3600]  }
0x8d: {  	v1 =	vld [tilespmem:s13+$0x0];
	_ =	sdelay $0x1  }
0x8e: {  	v2 =	vld [tilespmem:s12+$0x3800];
	_ =	sdelay $0x1  }
0x8f: {  	v3 =	vld [tilespmem:s12+$0x3A00]  }
0x90: {  	v0 =	vadd.f32 v0, v1  }
0x91: {  	v42 =	vld [tilespmem:s12+$0x3C00]  }
0x92: {  	v0 =	vadd.f32 v2, v0  }
0x93: {  	v43 =	vld [tilespmem:s12+$0x3E00]  }
0x94: {  	v0 =	vadd.f32 v3, v0  }
0x95: {  	v44 =	vld [tilespmem:s12+$0x4000]  }
0x96: {  	v0 =	vadd.f32 v42, v0  }
0x97: {  	v45 =	vld [tilespmem:s12+$0x4200]  }
0x98: {  	v0 =	vadd.f32 v43, v0  }
0x99: {  	v46 =	vld [tilespmem:s12+$0x4400]  }
0x9a: {  	v0 =	vadd.f32 v44, v0  }
0x9b: {  	v47 =	vld [tilespmem:s12+$0x4600]  }
0x9c: {  	v0 =	vadd.f32 v45, v0  }
0x9d: {  	v48 =	vld [tilespmem:s12+$0x4800]  }
0x9e: {  	v0 =	vadd.f32 v46, v0  }
0x9f: {  	v49 =	vld [tilespmem:s12+$0x4A00]  }
0xa0: {  	v0 =	vadd.f32 v47, v0  }
0xa1: {  	v50 =	vld [tilespmem:s12+$0x4C00]  }
0xa2: {  	v0 =	vadd.f32 v48, v0  }
0xa3: {  	v51 =	vld [tilespmem:s12+$0x4E00]  }
0xa4: {  	v0 =	vadd.f32 v49, v0  }
0xa5: {  	v52 =	vld [tilespmem:s12+$0x5000]  }
0xa6: {  	v0 =	vadd.f32 v50, v0  }
0xa7: {  	v53 =	vld [tilespmem:s12+$0x5200]  }
0xa8: {  	v0 =	vadd.f32 v51, v0  }
0xa9: {  	v54 =	vld [tilespmem:s12+$0x5400]  }
0xaa: {  	v0 =	vadd.f32 v52, v0  }
0xab: {  	v55 =	vld [tilespmem:s12+$0x5600]  }
0xac: {  	v0 =	vadd.f32 v53, v0  }
0xad: {  	v56 =	vld [tilespmem:s12+$0x5800]  }
0xae: {  	v0 =	vadd.f32 v54, v0  }
0xaf: {  	v57 =	vld [tilespmem:s12+$0x5A00]  }
0xb0: {  	v0 =	vadd.f32 v55, v0  }
0xb1: {  	v58 =	vld [tilespmem:s12+$0x5C00]  }
0xb2: {  	v0 =	vadd.f32 v56, v0  }
0xb3: {  	v59 =	vld [tilespmem:s12+$0x5E00]  }
0xb4: {  	v0 =	vadd.f32 v57, v0  }
0xb5: {  	v60 =	vld [tilespmem:s12+$0x6000]  }
0xb6: {  	v0 =	vadd.f32 v58, v0  }
0xb7: {  	v61 =	vld [tilespmem:s12+$0x6200]  }
0xb8: {  	v0 =	vadd.f32 v59, v0  }
0xb9: {  	v62 =	vld [tilespmem:s12+$0x6400]  }
0xba: {  	v0 =	vadd.f32 v60, v0  }
0xbb: {  	v63 =	vld [tilespmem:s12+$0x6600]  }
0xbc: {  	v0 =	vadd.f32 v61, v0;
	_ =	sdelay $0x1  }
0xbd: {  	v0 =	vadd.f32 v62, v0;
	_ =	sdelay $0x1  }
0xbe: {  	v0 =	vadd.f32 v63, v0;
	_ =	sdelay $0x1  }
0xbf: {  	v0 =	vmul.f32 $-3.846153990e-02, v0;
	_ =	sdelay $0x1  }
0xc0: {  	v0 =	vadd.f32 $0.0e+00, v0;
	_ =	sdelay $0x1  }
0xc1: {  	v0 =	vmul.f32 $1.442695020e+00, v0;
	_ =	sdelay $0x1  }
0xc2: {  	(erf) = vpow2.f32 v0;
	_ =	sdelay $0x8  }
0xc3: {  	v0 =	vpop (erf)  }
0xc4: {  	v0 =	vadd.f32 $1.000000000e+00, v0;
	_ =	sdelay $0x1  }
0xc5: {  	(erf) = vrcp.f32 v0;
	_ =	sdelay $0x7  }
0xc6: {  	s10 =	sadd.s32 $0x1, s10  }
0xc7: {  	s11 =	sadd.s32 $0x10, s11;
	p0 =	sne.s32 s10, s6;
	v0 =	vpop (erf)  }
.Ltmp1:
0xc8: {  	[tilespmem:s11+$0x0] =	vst v0;
	(pc) =	sbr.rel @p0 .LBB2_1-.Ltmp1, $4  }
0xc9: {  	[hbm4b:s5+s2] =	stream.linear.scatter [tilespmem:s9], [sflag:$0x2], $0x200, $0x38;
	[tilespmem:$0x6A00] =	vst v63  }
0xca: {  	_ =	swait.ge [sflag:s7], $0x200  }
0xcb: {  	[sflag:s7] =	ssyncset.done $0x0  }
0xcc: {  	[sflag:s7] =	ssyncadd.s32 $0xFFFFFE00  }
0xcd: {  	_ =	sfence.sel $0x180000  }
0xce: {  	[bflag:$0x0] =	sbarrier.arrive $0xFFFF  }
0xcf: {  	p0 =	sne.s32 s0, $0x0;
	_ =	strace $0x90000047  }
0xd0: {  	s0 =	sadd.s32 @!p0 $0x100000, s1;
	[bflag:$0x2] =	sbarrier.arrive $0xFFFF  }
0xd1: {  	[sflag:s0] =	ssyncadd.tile.s32 @!p0 $0x1;
	_ =	shalt  }
.Lfunc_end2:
_tile_overlayer_lowered:
.L_overlay_start_2:
0xd2: {  	(tag) =	ssettag $0x2  }
0xd3: {  	s0 =	rddreg [dreg:$0x0];
	s2 =	stileid.u32  }
0xd4: {  	s1 =	rddreg [dreg:$0x1];
	p0 =	sne.s32 s2, $0x0  }
0xd5: {  	s3 =	rddreg [dreg:$0x2];
	[bflag:$0x3] =	sbarrier.arrive $0xFFFF;
	s2 =	simm.s32 @!p0 $0x1C02  }
0xd6: {  	[timem:s3], [sflag:s2] =	dma.local @!p0 [hbm:s0], s1  }
0xd7: {  	s0 =	simm.s32 @!p0 $0x2  }
0xd8: {  	_ =	swait.ge @!p0 [sflag:s0], s1  }
0xd9: {  	s1 =	ssub.s32 @!p0 $0x0, s1;
	[sflag:s0] =	ssyncset.done @!p0 $0x0  }
0xda: {  	[sflag:s0] =	ssyncadd.s32 @!p0 s1  }
0xdb: {  	[bflag:$0x3] =	sbarrier.arrive $0xFFFF  }
0xdc: {  	_ =	shalt  }

</sc_bundles>
